<compile_context>
chip_gen: v7x
topology: tpu7x:2x2x1
jax: 0.10.2.dev20260603
libtpu: 0.0.44.dev20260713+nightly
codegen_flags: <defaults>
</compile_context>

<pallas_src>
import functools
import math

import jax
import jax.numpy as jnp
from jax import lax
from jax.experimental import pallas as pl
from jax.experimental.pallas import tpu as pltpu
from jax.experimental.pallas import tpu_sc as plsc

NC = 2
NS = 16
NW = NC * NS
LANES = 16

GATHER_ROWS = 128


def _make_pe(seq_len: int, d: int) -> jax.Array:
    pos = jnp.arange(0, seq_len, dtype=jnp.float32)[:, None]
    fill = pos * jnp.exp(
        -jnp.arange(0, d, 2, dtype=jnp.float32) * math.log(10000.0) / d
    )
    pe = jnp.zeros((seq_len, d), dtype=jnp.float32)
    pe = pe.at[:, 0::2].set(jnp.sin(fill))
    pe = pe.at[:, 1::2].set(jnp.cos(fill))
    return pe


@functools.partial(jax.jit, static_argnames=("n_rows", "d", "seq_len"))
def _sc_embed(x2d, pe, table, *, n_rows, d, seq_len):
    per_w = n_rows // NW
    n_g = per_w // GATHER_ROWS
    half = per_w // 2
    g_per_half = n_g // 2
    vecs_per_row = d // LANES

    mesh = plsc.VectorSubcoreMesh(core_axis_name="c", subcore_axis_name="s")

    @functools.partial(
        pl.kernel,
        out_type=jax.ShapeDtypeStruct((n_rows, d), jnp.float32),
        mesh=mesh,
        compiler_params=pltpu.CompilerParams(
            use_tc_tiling_on_sc=False, needs_layout_passes=False
        ),
        scratch_types=[
            pltpu.VMEM((n_g, GATHER_ROWS), jnp.int32),
            pltpu.VMEM((half, d), jnp.float32),
            pltpu.VMEM((half, d), jnp.float32),
            pltpu.SemaphoreType.DMA,
        ],
    )
    def body(x_hbm, pe_hbm, table_hbm, out_hbm, idx_v, rows_v, pe_v, sem):
        wid = lax.axis_index("s") * NC + lax.axis_index("c")
        base = wid * per_w
        l_start = lax.rem(base, seq_len)

        pltpu.sync_copy(x_hbm.at[pl.ds(wid * n_g, n_g)], idx_v)

        for c in range(2):
            copies = [
                pltpu.async_copy(
                    table_hbm.at[idx_v.at[c * g_per_half + k]],
                    rows_v.at[pl.ds(k * GATHER_ROWS, GATHER_ROWS)],
                    sem,
                )
                for k in range(g_per_half)
            ]
            pltpu.sync_copy(pe_hbm.at[pl.ds(l_start + c * half, half)], pe_v)
            for cp in copies:
                cp.wait()

            def row_add(i, carry):
                for j in range(vecs_per_row):
                    sl = pl.ds(j * LANES, LANES)
                    plsc.addupdate(rows_v.at[i, sl], pe_v[i, sl])
                return carry

            lax.fori_loop(0, half, row_add, 0)
            pltpu.sync_copy(rows_v, out_hbm.at[pl.ds(base + c * half, half)])

    return body(x2d, pe, table)


def kernel(x, table):
    b, l = x.shape
    v, d = table.shape
    n_rows = b * l
    pe = _make_pe(l, d)
    x2d = x.reshape(n_rows // GATHER_ROWS, GATHER_ROWS).astype(jnp.int32)
    out = _sc_embed(x2d, pe, table, n_rows=n_rows, d=d, seq_len=l)
    return out.reshape(b, l, d)

# --- scband reference (transcript-rebuilt; emitter-appended) ---
"""Pipeline reference for scband-embedding-with-position-90280212561936 (READ-ONLY COPY).

The authoritative reference and input builder live on the scoring server;
editing this copy changes nothing except your own understanding.
"""

import jax, jax.numpy as jnp
import numpy as np
import math

VOCAB_SIZE = 1000000
EMBED_SIZE = 64
SEQ_MAX_LEN = 2048
BATCH = 16
SEQ_LEN = 2048


def make_position_encoding(seq_max_len, embedding_size):
    position_idx = jnp.arange(0, seq_max_len, dtype=jnp.float32)[:, None]
    fill = position_idx * jnp.exp(-jnp.arange(0, embedding_size, 2, dtype=jnp.float32) * math.log(10000.0) / embedding_size)
    pe = jnp.zeros((seq_max_len, embedding_size), dtype=jnp.float32)
    pe = pe.at[:, 0::2].set(jnp.sin(fill))
    pe = pe.at[:, 1::2].set(jnp.cos(fill))
    return pe


def setup_inputs(seed: int = 0) -> dict:
    key = jax.random.key(seed)
    k1, k2 = jax.random.split(key)
    x = jax.random.randint(k1, (BATCH, SEQ_LEN), 0, VOCAB_SIZE, dtype=jnp.int64 if jax.config.jax_enable_x64 else jnp.int32)
    table = jax.random.normal(k2, (VOCAB_SIZE, EMBED_SIZE), dtype=jnp.float32)
    return {"x": x, "table": table}


def reference(x, table):
    # Embedding lookup (gather)
    emb = jnp.take(table, x, axis=0)  # [B, L, D]
    # Add fixed sinusoidal positional encoding (registered buffer, non-trainable)
    pe = make_position_encoding(SEQ_MAX_LEN, EMBED_SIZE)
    emb = emb + pe[None, :emb.shape[1], :]
    # Dropout is identity in eval mode (faithful inference semantics)
    return emb

if __name__ == "__main__":
    import jax
    _d = setup_inputs()
    print(jax.jit(kernel)(*tuple(_d.values())))

</pallas_src>

<mosaic_0001>
#map = affine_map<(d0, d1) -> (0, 0)>
module attributes {stable_mosaic.version = 14 : i64} {
  func.func @body(%arg0: i32, %arg1: i32, %arg2: memref<256x128xi32, #tpu.memory_space<hbm>>, %arg3: memref<2048x64xf32, #tpu.memory_space<hbm>>, %arg4: memref<1000000x64xf32, #tpu.memory_space<hbm>>, %arg5: memref<32768x64xf32, #tpu.memory_space<hbm>>, %arg6: memref<8x128xi32, #tpu.memory_space<vmem>>, %arg7: memref<512x64xf32, #tpu.memory_space<vmem>>, %arg8: memref<512x64xf32, #tpu.memory_space<vmem>>, %arg9: memref<!tpu.dma_semaphore, #tpu.memory_space<semaphore_mem>>) attributes {dimension_semantics = [#tpu.dimension_semantics<core_parallel>, #tpu.dimension_semantics<subcore_parallel>], iteration_bounds = array<i64: 2, 16>, scalar_prefetch = 0 : i64, scratch_operands = 4 : i64, tpu.core_type = #tpu.core_type<sc_vector_subcore>, window_params = [{transform_indices = #map}, {transform_indices = #map}, {transform_indices = #map}, {transform_indices = #map}]} {
    %mul3A = arith.constant 2 : i32
    %mul3A_0 = arith.muli %arg1, %mul3A : i32
    %add3A = arith.addi %mul3A_0, %arg0 : i32
    %mul3A_1 = arith.constant 1024 : i32
    %mul3A_2 = arith.muli %add3A, %mul3A_1 : i32
    %rem3A = arith.constant 2048 : i32
    %rem3A_3 = arith.remsi %mul3A_2, %rem3A : i32
    %mul3A_4 = arith.constant 8 : i32
    %mul3A_5 = arith.muli %add3A, %mul3A_4 : i32
    "tpu.region"() ({
      %run_scoped3A = tpu.sem_alloc : memref<!tpu.dma_semaphore, #tpu.memory_space<semaphore_mem>>
      %dma_start3A_183 = arith.constant 0 : i32
      %dma_start3A_184 = tpu.memref_slice %arg2[%mul3A_5, %dma_start3A_183] : memref<256x128xi32, #tpu.memory_space<hbm>> -> memref<8x128xi32, #tpu.memory_space<hbm>>
      %dma_start3A_185 = arith.constant 0 : i32
      %dma_start3A_186 = tpu.memref_slice %arg2[%mul3A_5, %dma_start3A_185] : memref<256x128xi32, #tpu.memory_space<hbm>> -> memref<8x128xi32, #tpu.memory_space<hbm>>
      tpu.enqueue_dma source(%dma_start3A_186 : memref<8x128xi32, #tpu.memory_space<hbm>>) target(%arg6 : memref<8x128xi32, #tpu.memory_space<vmem>>) target_semaphore(%run_scoped3A : memref<!tpu.dma_semaphore, #tpu.memory_space<semaphore_mem>>)
      %dma_wait3A_187 = arith.constant 0 : i32
      %dma_wait3A_188 = tpu.memref_slice %arg2[%mul3A_5, %dma_wait3A_187] : memref<256x128xi32, #tpu.memory_space<hbm>> -> memref<8x128xi32, #tpu.memory_space<hbm>>
      %dma_wait3A_189 = arith.constant 0 : i32
      %dma_wait3A_190 = tpu.memref_slice %arg2[%mul3A_5, %dma_wait3A_189] : memref<256x128xi32, #tpu.memory_space<hbm>> -> memref<8x128xi32, #tpu.memory_space<hbm>>
      tpu.wait_dma2 semaphore(%run_scoped3A : memref<!tpu.dma_semaphore, #tpu.memory_space<semaphore_mem>>) src(%dma_wait3A_190 : memref<8x128xi32, #tpu.memory_space<hbm>>) dst(%arg6 : memref<8x128xi32, #tpu.memory_space<vmem>>)
      tpu.yield
    }) : () -> ()
    %dma_start3A = arith.constant 0 : i32
    %dma_start3A_6 = arith.constant 0 : i32
    %dma_start3A_7 = arith.constant 0 : i32
    %dma_start3A_8 = tpu.memref_slice %arg7[%dma_start3A_6, %dma_start3A_7] : memref<512x64xf32, #tpu.memory_space<vmem>> -> memref<128x64xf32, #tpu.memory_space<vmem>>
    %dma_start3A_9 = arith.constant 0 : i32
    %dma_start3A_10 = tpu.memref_slice %arg6[%dma_start3A, %dma_start3A_9] : memref<8x128xi32, #tpu.memory_space<vmem>> -> memref<1x128xi32, #tpu.memory_space<vmem>>
    %dma_start3A_11 = tpu.memref_squeeze %dma_start3A_10 : memref<1x128xi32, #tpu.memory_space<vmem>> -> memref<128xi32, #tpu.memory_space<vmem>>
    %dma_start3A_12 = arith.constant 0 : i32
    %dma_start3A_13 = arith.constant 0 : i32
    %dma_start3A_14 = tpu.memref_slice %arg4[%dma_start3A_12, %dma_start3A_13] : memref<1000000x64xf32, #tpu.memory_space<hbm>> -> memref<1000000x64xf32, #tpu.memory_space<hbm>>
    tpu.enqueue_indirect_dma source(%dma_start3A_14 : memref<1000000x64xf32, #tpu.memory_space<hbm>>) target(%dma_start3A_8 : memref<128x64xf32, #tpu.memory_space<vmem>>) offsets(%dma_start3A_11 : memref<128xi32, #tpu.memory_space<vmem>>) semaphore(%arg9 : memref<!tpu.dma_semaphore, #tpu.memory_space<semaphore_mem>>)
    %dma_start3A_15 = arith.constant 1 : i32
    %dma_start3A_16 = arith.constant 128 : i32
    %dma_start3A_17 = arith.constant 0 : i32
    %dma_start3A_18 = tpu.memref_slice %arg7[%dma_start3A_16, %dma_start3A_17] : memref<512x64xf32, #tpu.memory_space<vmem>> -> memref<128x64xf32, #tpu.memory_space<vmem>>
    %dma_start3A_19 = arith.constant 0 : i32
    %dma_start3A_20 = tpu.memref_slice %arg6[%dma_start3A_15, %dma_start3A_19] : memref<8x128xi32, #tpu.memory_space<vmem>> -> memref<1x128xi32, #tpu.memory_space<vmem>>
    %dma_start3A_21 = tpu.memref_squeeze %dma_start3A_20 : memref<1x128xi32, #tpu.memory_space<vmem>> -> memref<128xi32, #tpu.memory_space<vmem>>
    %dma_start3A_22 = arith.constant 0 : i32
    %dma_start3A_23 = arith.constant 0 : i32
    %dma_start3A_24 = tpu.memref_slice %arg4[%dma_start3A_22, %dma_start3A_23] : memref<1000000x64xf32, #tpu.memory_space<hbm>> -> memref<1000000x64xf32, #tpu.memory_space<hbm>>
    tpu.enqueue_indirect_dma source(%dma_start3A_24 : memref<1000000x64xf32, #tpu.memory_space<hbm>>) target(%dma_start3A_18 : memref<128x64xf32, #tpu.memory_space<vmem>>) offsets(%dma_start3A_21 : memref<128xi32, #tpu.memory_space<vmem>>) semaphore(%arg9 : memref<!tpu.dma_semaphore, #tpu.memory_space<semaphore_mem>>)
    %dma_start3A_25 = arith.constant 2 : i32
    %dma_start3A_26 = arith.constant 256 : i32
    %dma_start3A_27 = arith.constant 0 : i32
    %dma_start3A_28 = tpu.memref_slice %arg7[%dma_start3A_26, %dma_start3A_27] : memref<512x64xf32, #tpu.memory_space<vmem>> -> memref<128x64xf32, #tpu.memory_space<vmem>>
    %dma_start3A_29 = arith.constant 0 : i32
    %dma_start3A_30 = tpu.memref_slice %arg6[%dma_start3A_25, %dma_start3A_29] : memref<8x128xi32, #tpu.memory_space<vmem>> -> memref<1x128xi32, #tpu.memory_space<vmem>>
    %dma_start3A_31 = tpu.memref_squeeze %dma_start3A_30 : memref<1x128xi32, #tpu.memory_space<vmem>> -> memref<128xi32, #tpu.memory_space<vmem>>
    %dma_start3A_32 = arith.constant 0 : i32
    %dma_start3A_33 = arith.constant 0 : i32
    %dma_start3A_34 = tpu.memref_slice %arg4[%dma_start3A_32, %dma_start3A_33] : memref<1000000x64xf32, #tpu.memory_space<hbm>> -> memref<1000000x64xf32, #tpu.memory_space<hbm>>
    tpu.enqueue_indirect_dma source(%dma_start3A_34 : memref<1000000x64xf32, #tpu.memory_space<hbm>>) target(%dma_start3A_28 : memref<128x64xf32, #tpu.memory_space<vmem>>) offsets(%dma_start3A_31 : memref<128xi32, #tpu.memory_space<vmem>>) semaphore(%arg9 : memref<!tpu.dma_semaphore, #tpu.memory_space<semaphore_mem>>)
    %dma_start3A_35 = arith.constant 3 : i32
    %dma_start3A_36 = arith.constant 384 : i32
    %dma_start3A_37 = arith.constant 0 : i32
    %dma_start3A_38 = tpu.memref_slice %arg7[%dma_start3A_36, %dma_start3A_37] : memref<512x64xf32, #tpu.memory_space<vmem>> -> memref<128x64xf32, #tpu.memory_space<vmem>>
    %dma_start3A_39 = arith.constant 0 : i32
    %dma_start3A_40 = tpu.memref_slice %arg6[%dma_start3A_35, %dma_start3A_39] : memref<8x128xi32, #tpu.memory_space<vmem>> -> memref<1x128xi32, #tpu.memory_space<vmem>>
    %dma_start3A_41 = tpu.memref_squeeze %dma_start3A_40 : memref<1x128xi32, #tpu.memory_space<vmem>> -> memref<128xi32, #tpu.memory_space<vmem>>
    %dma_start3A_42 = arith.constant 0 : i32
    %dma_start3A_43 = arith.constant 0 : i32
    %dma_start3A_44 = tpu.memref_slice %arg4[%dma_start3A_42, %dma_start3A_43] : memref<1000000x64xf32, #tpu.memory_space<hbm>> -> memref<1000000x64xf32, #tpu.memory_space<hbm>>
    tpu.enqueue_indirect_dma source(%dma_start3A_44 : memref<1000000x64xf32, #tpu.memory_space<hbm>>) target(%dma_start3A_38 : memref<128x64xf32, #tpu.memory_space<vmem>>) offsets(%dma_start3A_41 : memref<128xi32, #tpu.memory_space<vmem>>) semaphore(%arg9 : memref<!tpu.dma_semaphore, #tpu.memory_space<semaphore_mem>>)
    %add3A_45 = arith.constant 0 : i32
    %add3A_46 = arith.addi %rem3A_3, %add3A_45 : i32
    "tpu.region"() ({
      %run_scoped3A = tpu.sem_alloc : memref<!tpu.dma_semaphore, #tpu.memory_space<semaphore_mem>>
      %dma_start3A_183 = arith.constant 0 : i32
      %dma_start3A_184 = tpu.memref_slice %arg3[%add3A_46, %dma_start3A_183] : memref<2048x64xf32, #tpu.memory_space<hbm>> -> memref<512x64xf32, #tpu.memory_space<hbm>>
      %dma_start3A_185 = arith.constant 0 : i32
      %dma_start3A_186 = tpu.memref_slice %arg3[%add3A_46, %dma_start3A_185] : memref<2048x64xf32, #tpu.memory_space<hbm>> -> memref<512x64xf32, #tpu.memory_space<hbm>>
      tpu.enqueue_dma source(%dma_start3A_186 : memref<512x64xf32, #tpu.memory_space<hbm>>) target(%arg8 : memref<512x64xf32, #tpu.memory_space<vmem>>) target_semaphore(%run_scoped3A : memref<!tpu.dma_semaphore, #tpu.memory_space<semaphore_mem>>)
      %dma_wait3A_187 = arith.constant 0 : i32
      %dma_wait3A_188 = tpu.memref_slice %arg3[%add3A_46, %dma_wait3A_187] : memref<2048x64xf32, #tpu.memory_space<hbm>> -> memref<512x64xf32, #tpu.memory_space<hbm>>
      %dma_wait3A_189 = arith.constant 0 : i32
      %dma_wait3A_190 = tpu.memref_slice %arg3[%add3A_46, %dma_wait3A_189] : memref<2048x64xf32, #tpu.memory_space<hbm>> -> memref<512x64xf32, #tpu.memory_space<hbm>>
      tpu.wait_dma2 semaphore(%run_scoped3A : memref<!tpu.dma_semaphore, #tpu.memory_space<semaphore_mem>>) src(%dma_wait3A_190 : memref<512x64xf32, #tpu.memory_space<hbm>>) dst(%arg8 : memref<512x64xf32, #tpu.memory_space<vmem>>)
      tpu.yield
    }) : () -> ()
    %dma_wait3A = arith.constant 0 : i32
    %dma_wait3A_47 = arith.constant 0 : i32
    %dma_wait3A_48 = arith.constant 0 : i32
    %dma_wait3A_49 = tpu.memref_slice %arg7[%dma_wait3A_47, %dma_wait3A_48] : memref<512x64xf32, #tpu.memory_space<vmem>> -> memref<128x64xf32, #tpu.memory_space<vmem>>
    %dma_wait3A_50 = arith.constant 0 : i32
    %dma_wait3A_51 = tpu.memref_slice %arg6[%dma_wait3A, %dma_wait3A_50] : memref<8x128xi32, #tpu.memory_space<vmem>> -> memref<1x128xi32, #tpu.memory_space<vmem>>
    %dma_wait3A_52 = tpu.memref_squeeze %dma_wait3A_51 : memref<1x128xi32, #tpu.memory_space<vmem>> -> memref<128xi32, #tpu.memory_space<vmem>>
    %dma_wait3A_53 = arith.constant 0 : i32
    %dma_wait3A_54 = arith.constant 0 : i32
    %dma_wait3A_55 = tpu.memref_slice %arg4[%dma_wait3A_53, %dma_wait3A_54] : memref<1000000x64xf32, #tpu.memory_space<hbm>> -> memref<1000000x64xf32, #tpu.memory_space<hbm>>
    tpu.wait_indirect_dma semaphore(%arg9 : memref<!tpu.dma_semaphore, #tpu.memory_space<semaphore_mem>>) src(%dma_wait3A_55 : memref<1000000x64xf32, #tpu.memory_space<hbm>>) dst(%dma_wait3A_49 : memref<128x64xf32, #tpu.memory_space<vmem>>)
    %dma_wait3A_56 = arith.constant 1 : i32
    %dma_wait3A_57 = arith.constant 128 : i32
    %dma_wait3A_58 = arith.constant 0 : i32
    %dma_wait3A_59 = tpu.memref_slice %arg7[%dma_wait3A_57, %dma_wait3A_58] : memref<512x64xf32, #tpu.memory_space<vmem>> -> memref<128x64xf32, #tpu.memory_space<vmem>>
    %dma_wait3A_60 = arith.constant 0 : i32
    %dma_wait3A_61 = tpu.memref_slice %arg6[%dma_wait3A_56, %dma_wait3A_60] : memref<8x128xi32, #tpu.memory_space<vmem>> -> memref<1x128xi32, #tpu.memory_space<vmem>>
    %dma_wait3A_62 = tpu.memref_squeeze %dma_wait3A_61 : memref<1x128xi32, #tpu.memory_space<vmem>> -> memref<128xi32, #tpu.memory_space<vmem>>
    %dma_wait3A_63 = arith.constant 0 : i32
    %dma_wait3A_64 = arith.constant 0 : i32
    %dma_wait3A_65 = tpu.memref_slice %arg4[%dma_wait3A_63, %dma_wait3A_64] : memref<1000000x64xf32, #tpu.memory_space<hbm>> -> memref<1000000x64xf32, #tpu.memory_space<hbm>>
    tpu.wait_indirect_dma semaphore(%arg9 : memref<!tpu.dma_semaphore, #tpu.memory_space<semaphore_mem>>) src(%dma_wait3A_65 : memref<1000000x64xf32, #tpu.memory_space<hbm>>) dst(%dma_wait3A_59 : memref<128x64xf32, #tpu.memory_space<vmem>>)
    %dma_wait3A_66 = arith.constant 2 : i32
    %dma_wait3A_67 = arith.constant 256 : i32
    %dma_wait3A_68 = arith.constant 0 : i32
    %dma_wait3A_69 = tpu.memref_slice %arg7[%dma_wait3A_67, %dma_wait3A_68] : memref<512x64xf32, #tpu.memory_space<vmem>> -> memref<128x64xf32, #tpu.memory_space<vmem>>
    %dma_wait3A_70 = arith.constant 0 : i32
    %dma_wait3A_71 = tpu.memref_slice %arg6[%dma_wait3A_66, %dma_wait3A_70] : memref<8x128xi32, #tpu.memory_space<vmem>> -> memref<1x128xi32, #tpu.memory_space<vmem>>
    %dma_wait3A_72 = tpu.memref_squeeze %dma_wait3A_71 : memref<1x128xi32, #tpu.memory_space<vmem>> -> memref<128xi32, #tpu.memory_space<vmem>>
    %dma_wait3A_73 = arith.constant 0 : i32
    %dma_wait3A_74 = arith.constant 0 : i32
    %dma_wait3A_75 = tpu.memref_slice %arg4[%dma_wait3A_73, %dma_wait3A_74] : memref<1000000x64xf32, #tpu.memory_space<hbm>> -> memref<1000000x64xf32, #tpu.memory_space<hbm>>
    tpu.wait_indirect_dma semaphore(%arg9 : memref<!tpu.dma_semaphore, #tpu.memory_space<semaphore_mem>>) src(%dma_wait3A_75 : memref<1000000x64xf32, #tpu.memory_space<hbm>>) dst(%dma_wait3A_69 : memref<128x64xf32, #tpu.memory_space<vmem>>)
    %dma_wait3A_76 = arith.constant 3 : i32
    %dma_wait3A_77 = arith.constant 384 : i32
    %dma_wait3A_78 = arith.constant 0 : i32
    %dma_wait3A_79 = tpu.memref_slice %arg7[%dma_wait3A_77, %dma_wait3A_78] : memref<512x64xf32, #tpu.memory_space<vmem>> -> memref<128x64xf32, #tpu.memory_space<vmem>>
    %dma_wait3A_80 = arith.constant 0 : i32
    %dma_wait3A_81 = tpu.memref_slice %arg6[%dma_wait3A_76, %dma_wait3A_80] : memref<8x128xi32, #tpu.memory_space<vmem>> -> memref<1x128xi32, #tpu.memory_space<vmem>>
    %dma_wait3A_82 = tpu.memref_squeeze %dma_wait3A_81 : memref<1x128xi32, #tpu.memory_space<vmem>> -> memref<128xi32, #tpu.memory_space<vmem>>
    %dma_wait3A_83 = arith.constant 0 : i32
    %dma_wait3A_84 = arith.constant 0 : i32
    %dma_wait3A_85 = tpu.memref_slice %arg4[%dma_wait3A_83, %dma_wait3A_84] : memref<1000000x64xf32, #tpu.memory_space<hbm>> -> memref<1000000x64xf32, #tpu.memory_space<hbm>>
    tpu.wait_indirect_dma semaphore(%arg9 : memref<!tpu.dma_semaphore, #tpu.memory_space<semaphore_mem>>) src(%dma_wait3A_85 : memref<1000000x64xf32, #tpu.memory_space<hbm>>) dst(%dma_wait3A_79 : memref<128x64xf32, #tpu.memory_space<vmem>>)
    %scan3A = arith.constant 0 : i32
    %scan3A_86 = arith.constant 0 : i32
    %scan3A_87 = arith.constant 512 : i32
    %scan3A_88 = arith.addi %scan3A_86, %scan3A_87 : i32
    %scan3A_89 = arith.constant 1 : i32
    scf.for %scan3A_183 = %scan3A_86 to %scan3A_88 step %scan3A_89  : i32 {
      %get3A = arith.index_cast %scan3A_183 : i32 to index
      %get3A_184 = arith.constant 0 : index
      %get3A_185 = tpu.vector_load %arg8[%get3A, %get3A_184] {strides = array<i32>} : memref<512x64xf32, #tpu.memory_space<vmem>>, vector<16xf32>,
      %swap3A = arith.index_cast %scan3A_183 : i32 to index
      %swap3A_186 = arith.constant 0 : index
      %swap3A_187 = tpu.vector_load %arg7[%swap3A, %swap3A_186] {strides = array<i32>} : memref<512x64xf32, #tpu.memory_space<vmem>>, vector<16xf32>,
      tpu.vector_store %arg7[%swap3A, %swap3A_186], %get3A_185 {add = true, strides = array<i32>} : memref<512x64xf32, #tpu.memory_space<vmem>>, vector<16xf32>,
      %get3A_188 = arith.index_cast %scan3A_183 : i32 to index
      %get3A_189 = arith.constant 16 : index
      %get3A_190 = tpu.vector_load %arg8[%get3A_188, %get3A_189] {strides = array<i32>} : memref<512x64xf32, #tpu.memory_space<vmem>>, vector<16xf32>,
      %swap3A_191 = arith.index_cast %scan3A_183 : i32 to index
      %swap3A_192 = arith.constant 16 : index
      %swap3A_193 = tpu.vector_load %arg7[%swap3A_191, %swap3A_192] {strides = array<i32>} : memref<512x64xf32, #tpu.memory_space<vmem>>, vector<16xf32>,
      tpu.vector_store %arg7[%swap3A_191, %swap3A_192], %get3A_190 {add = true, strides = array<i32>} : memref<512x64xf32, #tpu.memory_space<vmem>>, vector<16xf32>,
      %get3A_194 = arith.index_cast %scan3A_183 : i32 to index
      %get3A_195 = arith.constant 32 : index
      %get3A_196 = tpu.vector_load %arg8[%get3A_194, %get3A_195] {strides = array<i32>} : memref<512x64xf32, #tpu.memory_space<vmem>>, vector<16xf32>,
      %swap3A_197 = arith.index_cast %scan3A_183 : i32 to index
      %swap3A_198 = arith.constant 32 : index
      %swap3A_199 = tpu.vector_load %arg7[%swap3A_197, %swap3A_198] {strides = array<i32>} : memref<512x64xf32, #tpu.memory_space<vmem>>, vector<16xf32>,
      tpu.vector_store %arg7[%swap3A_197, %swap3A_198], %get3A_196 {add = true, strides = array<i32>} : memref<512x64xf32, #tpu.memory_space<vmem>>, vector<16xf32>,
      %get3A_200 = arith.index_cast %scan3A_183 : i32 to index
      %get3A_201 = arith.constant 48 : index
      %get3A_202 = tpu.vector_load %arg8[%get3A_200, %get3A_201] {strides = array<i32>} : memref<512x64xf32, #tpu.memory_space<vmem>>, vector<16xf32>,
      %swap3A_203 = arith.index_cast %scan3A_183 : i32 to index
      %swap3A_204 = arith.constant 48 : index
      %swap3A_205 = tpu.vector_load %arg7[%swap3A_203, %swap3A_204] {strides = array<i32>} : memref<512x64xf32, #tpu.memory_space<vmem>>, vector<16xf32>,
      tpu.vector_store %arg7[%swap3A_203, %swap3A_204], %get3A_202 {add = true, strides = array<i32>} : memref<512x64xf32, #tpu.memory_space<vmem>>, vector<16xf32>,
    }
    %scan3A_90 = arith.constant 512 : i32
    %add3A_91 = arith.constant 0 : i32
    %add3A_92 = arith.addi %mul3A_2, %add3A_91 : i32
    "tpu.region"() ({
      %run_scoped3A = tpu.sem_alloc : memref<!tpu.dma_semaphore, #tpu.memory_space<semaphore_mem>>
      %dma_start3A_183 = arith.constant 0 : i32
      %dma_start3A_184 = tpu.memref_slice %arg5[%add3A_92, %dma_start3A_183] : memref<32768x64xf32, #tpu.memory_space<hbm>> -> memref<512x64xf32, #tpu.memory_space<hbm>>
      %dma_start3A_185 = arith.constant 0 : i32
      %dma_start3A_186 = tpu.memref_slice %arg5[%add3A_92, %dma_start3A_185] : memref<32768x64xf32, #tpu.memory_space<hbm>> -> memref<512x64xf32, #tpu.memory_space<hbm>>
      tpu.enqueue_dma source(%arg7 : memref<512x64xf32, #tpu.memory_space<vmem>>) target(%dma_start3A_186 : memref<512x64xf32, #tpu.memory_space<hbm>>) target_semaphore(%run_scoped3A : memref<!tpu.dma_semaphore, #tpu.memory_space<semaphore_mem>>)
      %dma_wait3A_187 = arith.constant 0 : i32
      %dma_wait3A_188 = tpu.memref_slice %arg5[%add3A_92, %dma_wait3A_187] : memref<32768x64xf32, #tpu.memory_space<hbm>> -> memref<512x64xf32, #tpu.memory_space<hbm>>
      %dma_wait3A_189 = arith.constant 0 : i32
      %dma_wait3A_190 = tpu.memref_slice %arg5[%add3A_92, %dma_wait3A_189] : memref<32768x64xf32, #tpu.memory_space<hbm>> -> memref<512x64xf32, #tpu.memory_space<hbm>>
      tpu.wait_dma2 semaphore(%run_scoped3A : memref<!tpu.dma_semaphore, #tpu.memory_space<semaphore_mem>>) src(%arg7 : memref<512x64xf32, #tpu.memory_space<vmem>>) dst(%dma_wait3A_190 : memref<512x64xf32, #tpu.memory_space<hbm>>)
      tpu.yield
    }) : () -> ()
    %dma_start3A_93 = arith.constant 4 : i32
    %dma_start3A_94 = arith.constant 0 : i32
    %dma_start3A_95 = arith.constant 0 : i32
    %dma_start3A_96 = tpu.memref_slice %arg7[%dma_start3A_94, %dma_start3A_95] : memref<512x64xf32, #tpu.memory_space<vmem>> -> memref<128x64xf32, #tpu.memory_space<vmem>>
    %dma_start3A_97 = arith.constant 0 : i32
    %dma_start3A_98 = tpu.memref_slice %arg6[%dma_start3A_93, %dma_start3A_97] : memref<8x128xi32, #tpu.memory_space<vmem>> -> memref<1x128xi32, #tpu.memory_space<vmem>>
    %dma_start3A_99 = tpu.memref_squeeze %dma_start3A_98 : memref<1x128xi32, #tpu.memory_space<vmem>> -> memref<128xi32, #tpu.memory_space<vmem>>
    %dma_start3A_100 = arith.constant 0 : i32
    %dma_start3A_101 = arith.constant 0 : i32
    %dma_start3A_102 = tpu.memref_slice %arg4[%dma_start3A_100, %dma_start3A_101] : memref<1000000x64xf32, #tpu.memory_space<hbm>> -> memref<1000000x64xf32, #tpu.memory_space<hbm>>
    tpu.enqueue_indirect_dma source(%dma_start3A_102 : memref<1000000x64xf32, #tpu.memory_space<hbm>>) target(%dma_start3A_96 : memref<128x64xf32, #tpu.memory_space<vmem>>) offsets(%dma_start3A_99 : memref<128xi32, #tpu.memory_space<vmem>>) semaphore(%arg9 : memref<!tpu.dma_semaphore, #tpu.memory_space<semaphore_mem>>)
    %dma_start3A_103 = arith.constant 5 : i32
    %dma_start3A_104 = arith.constant 128 : i32
    %dma_start3A_105 = arith.constant 0 : i32
    %dma_start3A_106 = tpu.memref_slice %arg7[%dma_start3A_104, %dma_start3A_105] : memref<512x64xf32, #tpu.memory_space<vmem>> -> memref<128x64xf32, #tpu.memory_space<vmem>>
    %dma_start3A_107 = arith.constant 0 : i32
    %dma_start3A_108 = tpu.memref_slice %arg6[%dma_start3A_103, %dma_start3A_107] : memref<8x128xi32, #tpu.memory_space<vmem>> -> memref<1x128xi32, #tpu.memory_space<vmem>>
    %dma_start3A_109 = tpu.memref_squeeze %dma_start3A_108 : memref<1x128xi32, #tpu.memory_space<vmem>> -> memref<128xi32, #tpu.memory_space<vmem>>
    %dma_start3A_110 = arith.constant 0 : i32
    %dma_start3A_111 = arith.constant 0 : i32
    %dma_start3A_112 = tpu.memref_slice %arg4[%dma_start3A_110, %dma_start3A_111] : memref<1000000x64xf32, #tpu.memory_space<hbm>> -> memref<1000000x64xf32, #tpu.memory_space<hbm>>
    tpu.enqueue_indirect_dma source(%dma_start3A_112 : memref<1000000x64xf32, #tpu.memory_space<hbm>>) target(%dma_start3A_106 : memref<128x64xf32, #tpu.memory_space<vmem>>) offsets(%dma_start3A_109 : memref<128xi32, #tpu.memory_space<vmem>>) semaphore(%arg9 : memref<!tpu.dma_semaphore, #tpu.memory_space<semaphore_mem>>)
    %dma_start3A_113 = arith.constant 6 : i32
    %dma_start3A_114 = arith.constant 256 : i32
    %dma_start3A_115 = arith.constant 0 : i32
    %dma_start3A_116 = tpu.memref_slice %arg7[%dma_start3A_114, %dma_start3A_115] : memref<512x64xf32, #tpu.memory_space<vmem>> -> memref<128x64xf32, #tpu.memory_space<vmem>>
    %dma_start3A_117 = arith.constant 0 : i32
    %dma_start3A_118 = tpu.memref_slice %arg6[%dma_start3A_113, %dma_start3A_117] : memref<8x128xi32, #tpu.memory_space<vmem>> -> memref<1x128xi32, #tpu.memory_space<vmem>>
    %dma_start3A_119 = tpu.memref_squeeze %dma_start3A_118 : memref<1x128xi32, #tpu.memory_space<vmem>> -> memref<128xi32, #tpu.memory_space<vmem>>
    %dma_start3A_120 = arith.constant 0 : i32
    %dma_start3A_121 = arith.constant 0 : i32
    %dma_start3A_122 = tpu.memref_slice %arg4[%dma_start3A_120, %dma_start3A_121] : memref<1000000x64xf32, #tpu.memory_space<hbm>> -> memref<1000000x64xf32, #tpu.memory_space<hbm>>
    tpu.enqueue_indirect_dma source(%dma_start3A_122 : memref<1000000x64xf32, #tpu.memory_space<hbm>>) target(%dma_start3A_116 : memref<128x64xf32, #tpu.memory_space<vmem>>) offsets(%dma_start3A_119 : memref<128xi32, #tpu.memory_space<vmem>>) semaphore(%arg9 : memref<!tpu.dma_semaphore, #tpu.memory_space<semaphore_mem>>)
    %dma_start3A_123 = arith.constant 7 : i32
    %dma_start3A_124 = arith.constant 384 : i32
    %dma_start3A_125 = arith.constant 0 : i32
    %dma_start3A_126 = tpu.memref_slice %arg7[%dma_start3A_124, %dma_start3A_125] : memref<512x64xf32, #tpu.memory_space<vmem>> -> memref<128x64xf32, #tpu.memory_space<vmem>>
    %dma_start3A_127 = arith.constant 0 : i32
    %dma_start3A_128 = tpu.memref_slice %arg6[%dma_start3A_123, %dma_start3A_127] : memref<8x128xi32, #tpu.memory_space<vmem>> -> memref<1x128xi32, #tpu.memory_space<vmem>>
    %dma_start3A_129 = tpu.memref_squeeze %dma_start3A_128 : memref<1x128xi32, #tpu.memory_space<vmem>> -> memref<128xi32, #tpu.memory_space<vmem>>
    %dma_start3A_130 = arith.constant 0 : i32
    %dma_start3A_131 = arith.constant 0 : i32
    %dma_start3A_132 = tpu.memref_slice %arg4[%dma_start3A_130, %dma_start3A_131] : memref<1000000x64xf32, #tpu.memory_space<hbm>> -> memref<1000000x64xf32, #tpu.memory_space<hbm>>
    tpu.enqueue_indirect_dma source(%dma_start3A_132 : memref<1000000x64xf32, #tpu.memory_space<hbm>>) target(%dma_start3A_126 : memref<128x64xf32, #tpu.memory_space<vmem>>) offsets(%dma_start3A_129 : memref<128xi32, #tpu.memory_space<vmem>>) semaphore(%arg9 : memref<!tpu.dma_semaphore, #tpu.memory_space<semaphore_mem>>)
    %add3A_133 = arith.constant 512 : i32
    %add3A_134 = arith.addi %rem3A_3, %add3A_133 : i32
    "tpu.region"() ({
      %run_scoped3A = tpu.sem_alloc : memref<!tpu.dma_semaphore, #tpu.memory_space<semaphore_mem>>
      %dma_start3A_183 = arith.constant 0 : i32
      %dma_start3A_184 = tpu.memref_slice %arg3[%add3A_134, %dma_start3A_183] : memref<2048x64xf32, #tpu.memory_space<hbm>> -> memref<512x64xf32, #tpu.memory_space<hbm>>
      %dma_start3A_185 = arith.constant 0 : i32
      %dma_start3A_186 = tpu.memref_slice %arg3[%add3A_134, %dma_start3A_185] : memref<2048x64xf32, #tpu.memory_space<hbm>> -> memref<512x64xf32, #tpu.memory_space<hbm>>
      tpu.enqueue_dma source(%dma_start3A_186 : memref<512x64xf32, #tpu.memory_space<hbm>>) target(%arg8 : memref<512x64xf32, #tpu.memory_space<vmem>>) target_semaphore(%run_scoped3A : memref<!tpu.dma_semaphore, #tpu.memory_space<semaphore_mem>>)
      %dma_wait3A_187 = arith.constant 0 : i32
      %dma_wait3A_188 = tpu.memref_slice %arg3[%add3A_134, %dma_wait3A_187] : memref<2048x64xf32, #tpu.memory_space<hbm>> -> memref<512x64xf32, #tpu.memory_space<hbm>>
      %dma_wait3A_189 = arith.constant 0 : i32
      %dma_wait3A_190 = tpu.memref_slice %arg3[%add3A_134, %dma_wait3A_189] : memref<2048x64xf32, #tpu.memory_space<hbm>> -> memref<512x64xf32, #tpu.memory_space<hbm>>
      tpu.wait_dma2 semaphore(%run_scoped3A : memref<!tpu.dma_semaphore, #tpu.memory_space<semaphore_mem>>) src(%dma_wait3A_190 : memref<512x64xf32, #tpu.memory_space<hbm>>) dst(%arg8 : memref<512x64xf32, #tpu.memory_space<vmem>>)
      tpu.yield
    }) : () -> ()
    %dma_wait3A_135 = arith.constant 4 : i32
    %dma_wait3A_136 = arith.constant 0 : i32
    %dma_wait3A_137 = arith.constant 0 : i32
    %dma_wait3A_138 = tpu.memref_slice %arg7[%dma_wait3A_136, %dma_wait3A_137] : memref<512x64xf32, #tpu.memory_space<vmem>> -> memref<128x64xf32, #tpu.memory_space<vmem>>
    %dma_wait3A_139 = arith.constant 0 : i32
    %dma_wait3A_140 = tpu.memref_slice %arg6[%dma_wait3A_135, %dma_wait3A_139] : memref<8x128xi32, #tpu.memory_space<vmem>> -> memref<1x128xi32, #tpu.memory_space<vmem>>
    %dma_wait3A_141 = tpu.memref_squeeze %dma_wait3A_140 : memref<1x128xi32, #tpu.memory_space<vmem>> -> memref<128xi32, #tpu.memory_space<vmem>>
    %dma_wait3A_142 = arith.constant 0 : i32
    %dma_wait3A_143 = arith.constant 0 : i32
    %dma_wait3A_144 = tpu.memref_slice %arg4[%dma_wait3A_142, %dma_wait3A_143] : memref<1000000x64xf32, #tpu.memory_space<hbm>> -> memref<1000000x64xf32, #tpu.memory_space<hbm>>
    tpu.wait_indirect_dma semaphore(%arg9 : memref<!tpu.dma_semaphore, #tpu.memory_space<semaphore_mem>>) src(%dma_wait3A_144 : memref<1000000x64xf32, #tpu.memory_space<hbm>>) dst(%dma_wait3A_138 : memref<128x64xf32, #tpu.memory_space<vmem>>)
    %dma_wait3A_145 = arith.constant 5 : i32
    %dma_wait3A_146 = arith.constant 128 : i32
    %dma_wait3A_147 = arith.constant 0 : i32
    %dma_wait3A_148 = tpu.memref_slice %arg7[%dma_wait3A_146, %dma_wait3A_147] : memref<512x64xf32, #tpu.memory_space<vmem>> -> memref<128x64xf32, #tpu.memory_space<vmem>>
    %dma_wait3A_149 = arith.constant 0 : i32
    %dma_wait3A_150 = tpu.memref_slice %arg6[%dma_wait3A_145, %dma_wait3A_149] : memref<8x128xi32, #tpu.memory_space<vmem>> -> memref<1x128xi32, #tpu.memory_space<vmem>>
    %dma_wait3A_151 = tpu.memref_squeeze %dma_wait3A_150 : memref<1x128xi32, #tpu.memory_space<vmem>> -> memref<128xi32, #tpu.memory_space<vmem>>
    %dma_wait3A_152 = arith.constant 0 : i32
    %dma_wait3A_153 = arith.constant 0 : i32
    %dma_wait3A_154 = tpu.memref_slice %arg4[%dma_wait3A_152, %dma_wait3A_153] : memref<1000000x64xf32, #tpu.memory_space<hbm>> -> memref<1000000x64xf32, #tpu.memory_space<hbm>>
    tpu.wait_indirect_dma semaphore(%arg9 : memref<!tpu.dma_semaphore, #tpu.memory_space<semaphore_mem>>) src(%dma_wait3A_154 : memref<1000000x64xf32, #tpu.memory_space<hbm>>) dst(%dma_wait3A_148 : memref<128x64xf32, #tpu.memory_space<vmem>>)
    %dma_wait3A_155 = arith.constant 6 : i32
    %dma_wait3A_156 = arith.constant 256 : i32
    %dma_wait3A_157 = arith.constant 0 : i32
    %dma_wait3A_158 = tpu.memref_slice %arg7[%dma_wait3A_156, %dma_wait3A_157] : memref<512x64xf32, #tpu.memory_space<vmem>> -> memref<128x64xf32, #tpu.memory_space<vmem>>
    %dma_wait3A_159 = arith.constant 0 : i32
    %dma_wait3A_160 = tpu.memref_slice %arg6[%dma_wait3A_155, %dma_wait3A_159] : memref<8x128xi32, #tpu.memory_space<vmem>> -> memref<1x128xi32, #tpu.memory_space<vmem>>
    %dma_wait3A_161 = tpu.memref_squeeze %dma_wait3A_160 : memref<1x128xi32, #tpu.memory_space<vmem>> -> memref<128xi32, #tpu.memory_space<vmem>>
    %dma_wait3A_162 = arith.constant 0 : i32
    %dma_wait3A_163 = arith.constant 0 : i32
    %dma_wait3A_164 = tpu.memref_slice %arg4[%dma_wait3A_162, %dma_wait3A_163] : memref<1000000x64xf32, #tpu.memory_space<hbm>> -> memref<1000000x64xf32, #tpu.memory_space<hbm>>
    tpu.wait_indirect_dma semaphore(%arg9 : memref<!tpu.dma_semaphore, #tpu.memory_space<semaphore_mem>>) src(%dma_wait3A_164 : memref<1000000x64xf32, #tpu.memory_space<hbm>>) dst(%dma_wait3A_158 : memref<128x64xf32, #tpu.memory_space<vmem>>)
    %dma_wait3A_165 = arith.constant 7 : i32
    %dma_wait3A_166 = arith.constant 384 : i32
    %dma_wait3A_167 = arith.constant 0 : i32
    %dma_wait3A_168 = tpu.memref_slice %arg7[%dma_wait3A_166, %dma_wait3A_167] : memref<512x64xf32, #tpu.memory_space<vmem>> -> memref<128x64xf32, #tpu.memory_space<vmem>>
    %dma_wait3A_169 = arith.constant 0 : i32
    %dma_wait3A_170 = tpu.memref_slice %arg6[%dma_wait3A_165, %dma_wait3A_169] : memref<8x128xi32, #tpu.memory_space<vmem>> -> memref<1x128xi32, #tpu.memory_space<vmem>>
    %dma_wait3A_171 = tpu.memref_squeeze %dma_wait3A_170 : memref<1x128xi32, #tpu.memory_space<vmem>> -> memref<128xi32, #tpu.memory_space<vmem>>
    %dma_wait3A_172 = arith.constant 0 : i32
    %dma_wait3A_173 = arith.constant 0 : i32
    %dma_wait3A_174 = tpu.memref_slice %arg4[%dma_wait3A_172, %dma_wait3A_173] : memref<1000000x64xf32, #tpu.memory_space<hbm>> -> memref<1000000x64xf32, #tpu.memory_space<hbm>>
    tpu.wait_indirect_dma semaphore(%arg9 : memref<!tpu.dma_semaphore, #tpu.memory_space<semaphore_mem>>) src(%dma_wait3A_174 : memref<1000000x64xf32, #tpu.memory_space<hbm>>) dst(%dma_wait3A_168 : memref<128x64xf32, #tpu.memory_space<vmem>>)
    %scan3A_175 = arith.constant 0 : i32
    %scan3A_176 = arith.constant 0 : i32
    %scan3A_177 = arith.constant 512 : i32
    %scan3A_178 = arith.addi %scan3A_176, %scan3A_177 : i32
    %scan3A_179 = arith.constant 1 : i32
    scf.for %scan3A_183 = %scan3A_176 to %scan3A_178 step %scan3A_179  : i32 {
      %get3A = arith.index_cast %scan3A_183 : i32 to index
      %get3A_184 = arith.constant 0 : index
      %get3A_185 = tpu.vector_load %arg8[%get3A, %get3A_184] {strides = array<i32>} : memref<512x64xf32, #tpu.memory_space<vmem>>, vector<16xf32>,
      %swap3A = arith.index_cast %scan3A_183 : i32 to index
      %swap3A_186 = arith.constant 0 : index
      %swap3A_187 = tpu.vector_load %arg7[%swap3A, %swap3A_186] {strides = array<i32>} : memref<512x64xf32, #tpu.memory_space<vmem>>, vector<16xf32>,
      tpu.vector_store %arg7[%swap3A, %swap3A_186], %get3A_185 {add = true, strides = array<i32>} : memref<512x64xf32, #tpu.memory_space<vmem>>, vector<16xf32>,
      %get3A_188 = arith.index_cast %scan3A_183 : i32 to index
      %get3A_189 = arith.constant 16 : index
      %get3A_190 = tpu.vector_load %arg8[%get3A_188, %get3A_189] {strides = array<i32>} : memref<512x64xf32, #tpu.memory_space<vmem>>, vector<16xf32>,
      %swap3A_191 = arith.index_cast %scan3A_183 : i32 to index
      %swap3A_192 = arith.constant 16 : index
      %swap3A_193 = tpu.vector_load %arg7[%swap3A_191, %swap3A_192] {strides = array<i32>} : memref<512x64xf32, #tpu.memory_space<vmem>>, vector<16xf32>,
      tpu.vector_store %arg7[%swap3A_191, %swap3A_192], %get3A_190 {add = true, strides = array<i32>} : memref<512x64xf32, #tpu.memory_space<vmem>>, vector<16xf32>,
      %get3A_194 = arith.index_cast %scan3A_183 : i32 to index
      %get3A_195 = arith.constant 32 : index
      %get3A_196 = tpu.vector_load %arg8[%get3A_194, %get3A_195] {strides = array<i32>} : memref<512x64xf32, #tpu.memory_space<vmem>>, vector<16xf32>,
      %swap3A_197 = arith.index_cast %scan3A_183 : i32 to index
      %swap3A_198 = arith.constant 32 : index
      %swap3A_199 = tpu.vector_load %arg7[%swap3A_197, %swap3A_198] {strides = array<i32>} : memref<512x64xf32, #tpu.memory_space<vmem>>, vector<16xf32>,
      tpu.vector_store %arg7[%swap3A_197, %swap3A_198], %get3A_196 {add = true, strides = array<i32>} : memref<512x64xf32, #tpu.memory_space<vmem>>, vector<16xf32>,
      %get3A_200 = arith.index_cast %scan3A_183 : i32 to index
      %get3A_201 = arith.constant 48 : index
      %get3A_202 = tpu.vector_load %arg8[%get3A_200, %get3A_201] {strides = array<i32>} : memref<512x64xf32, #tpu.memory_space<vmem>>, vector<16xf32>,
      %swap3A_203 = arith.index_cast %scan3A_183 : i32 to index
      %swap3A_204 = arith.constant 48 : index
      %swap3A_205 = tpu.vector_load %arg7[%swap3A_203, %swap3A_204] {strides = array<i32>} : memref<512x64xf32, #tpu.memory_space<vmem>>, vector<16xf32>,
      tpu.vector_store %arg7[%swap3A_203, %swap3A_204], %get3A_202 {add = true, strides = array<i32>} : memref<512x64xf32, #tpu.memory_space<vmem>>, vector<16xf32>,
    }
    %scan3A_180 = arith.constant 512 : i32
    %add3A_181 = arith.constant 512 : i32
    %add3A_182 = arith.addi %mul3A_2, %add3A_181 : i32
    "tpu.region"() ({
      %run_scoped3A = tpu.sem_alloc : memref<!tpu.dma_semaphore, #tpu.memory_space<semaphore_mem>>
      %dma_start3A_183 = arith.constant 0 : i32
      %dma_start3A_184 = tpu.memref_slice %arg5[%add3A_182, %dma_start3A_183] : memref<32768x64xf32, #tpu.memory_space<hbm>> -> memref<512x64xf32, #tpu.memory_space<hbm>>
      %dma_start3A_185 = arith.constant 0 : i32
      %dma_start3A_186 = tpu.memref_slice %arg5[%add3A_182, %dma_start3A_185] : memref<32768x64xf32, #tpu.memory_space<hbm>> -> memref<512x64xf32, #tpu.memory_space<hbm>>
      tpu.enqueue_dma source(%arg7 : memref<512x64xf32, #tpu.memory_space<vmem>>) target(%dma_start3A_186 : memref<512x64xf32, #tpu.memory_space<hbm>>) target_semaphore(%run_scoped3A : memref<!tpu.dma_semaphore, #tpu.memory_space<semaphore_mem>>)
      %dma_wait3A_187 = arith.constant 0 : i32
      %dma_wait3A_188 = tpu.memref_slice %arg5[%add3A_182, %dma_wait3A_187] : memref<32768x64xf32, #tpu.memory_space<hbm>> -> memref<512x64xf32, #tpu.memory_space<hbm>>
      %dma_wait3A_189 = arith.constant 0 : i32
      %dma_wait3A_190 = tpu.memref_slice %arg5[%add3A_182, %dma_wait3A_189] : memref<32768x64xf32, #tpu.memory_space<hbm>> -> memref<512x64xf32, #tpu.memory_space<hbm>>
      tpu.wait_dma2 semaphore(%run_scoped3A : memref<!tpu.dma_semaphore, #tpu.memory_space<semaphore_mem>>) src(%arg7 : memref<512x64xf32, #tpu.memory_space<vmem>>) dst(%dma_wait3A_190 : memref<512x64xf32, #tpu.memory_space<hbm>>)
      tpu.yield
    }) : () -> ()
    return
  }
}

</mosaic_0001>

<sc_bundles>
// kernel: _sc_embed.3.cloned.1.call-start
scs
__scs_entry_jumppad:
0x0: {  	(pc) =	sbr.rel $0x88, $3  }
0x1: {  	(tag) =	ssettag $0x0;
	lr =	simm.s32 $0x1  }
0x2: {  	[smem:$0x3F9E] =	sst lr;
	_ =	strace $0xD0000000  }
0x3: {  	_ = 	snop  }
0x4: {  	_ = 	snop  }
0x5: {  	_ = 	snop  }
0x6: {  	_ = 	snop  }
0x7: {  	_ = 	snop  }
__scs_overlays_trampoline_lowered:
0x8: {  	[smem:$0x3FAD] =	sst s0  }
0x9: {  	[smem:$0x3FAE] =	sst s1  }
0xa: {  	[smem:$0x3FAF] =	sst s2  }
0xb: {  	[smem:$0x3FB0] =	sst s3  }
0xc: {  	[smem:$0x3FB1] =	sst s4  }
0xd: {  	[smem:$0x3FB2] =	sst s5  }
0xe: {  	[smem:$0x3FB3] =	sst s6  }
0xf: {  	[smem:$0x3FB4] =	sst s7  }
0x10: {  	[smem:$0x3FB5] =	sst s8  }
0x11: {  	[smem:$0x3FB6] =	sst s9;
	s0 =	simm.s32 @!p0 $0x0  }
0x12: {  	s1 =	sld [smem:$0x3F9C];
	s0 =	simm.s32 @p0 $0x1  }
0x13: {  	[smem:$0x3FB7] =	sst s0;
	s0 =	simm.s32 @!p1 $0x0  }
0x14: {  	s2 =	sld [smem:$0x3F9B];
	s0 =	simm.s32 @p1 $0x1  }
0x15: {  	[smem:$0x3FB8] =	sst s0;
	s0 =	simm.s32 @!p2 $0x0  }
0x16: {  	s3 =	sld [smem:$0x3FDB];
	s0 =	simm.s32 @p2 $0x1  }
0x17: {  	s4 =	simm.s32 $0x1BF5;
	[smem:$0x3FBA] =	sst s0  }
0x18: {  	s0 =	sld [smem:$0x3F9D];
	_ =	swait.ge [sflag:s4], $0x0  }
0x19: {  	s7 =	sld [smem:$0x3F9E]  }
0x1a: {  	s8 =	sadd.s32 $0xFFFFE003, lr  }
0x1b: {  	s9 =	sadd.s32 $0xFFFFFEF7, lr;
	s5 =	simm.s32 $0xFFFFFFFF;
	p2 =	slt.u32 s8, $0xFFFFF086  }
0x1c: {  	p1 =	slt.u32 s9, $0xF7A;
	s5 =	simm.s32 @!p2 $0x0  }
0x1d: {  	s5 =	simm.s32 @p1 $0x1;
	p0 =	seq.s32 s7, s2  }
0x1e: {  	s7 =	smul.u32 @!p0 $0xF7A, s2;
	p2 =	seq.s32 @!p0 s5, $0x0  }
0x1f: {  	s9 =	smul.u32 $0xF7A, s1;
	s8 =	simm.s32 @!p0 $0x1BF5;
	p2 =	por !p2, p0  }
0x20: {  	[sflag:s8] =	ssyncset.s32 @!p0 $0xFFFFF086;
	s6 =	sadd.s32 @!p0 s3, s7;
	s7 =	simm.s32 @!p0 $0x108  }
0x21: {  	s3 =	sadd.s32 s3, s9;
	s6 =	sadd.s32 @!p0 $0x88, s6;
	s7 =	simm.s32 @p2 $0x1082  }
0x22: {  	[simem:s7], [sflag:s8] =	dma.local @!p0 [hbm:s6], $0xF7A  }
0x23: {  	s9 =	sor.u32 $0xD0000000, s2;
	s6 =	simm.s32 $0x108;
	_ =	swait.ge @!p0 [sflag:s8], $0x0  }
0x24: {  	s3 =	sadd.s32 $0x88, s3;
	s6 =	simm.s32 @!p1 $0x1082;
	[sflag:s4] =	ssyncset.s32 $0xFFFFF086  }
0x25: {  	[simem:s6], [sflag:s4] =	dma.local [hbm:s3], $0xF7A  }
0x26: {  	[smem:$0x3F9E] =	sst s1;
	(tag) =	ssettag s2;
	_ =	strace s9  }
0x27: {  	s1 =	sld [smem:$0x3FAE]  }
0x28: {  	s2 =	sld [smem:$0x3FAF]  }
0x29: {  	s4 =	sld [smem:$0x3FB1]  }
0x2a: {  	p0 =	seq.s32 s5, $0x0;
	s5 =	sld [smem:$0x3FB2]  }
0x2b: {  	s6 =	sld [smem:$0x3FB3]  }
0x2c: {  	s7 =	sld [smem:$0x3FB4]  }
0x2d: {  	s3 =	simm.s32 $0x108;
	s8 =	sld [smem:$0x3FB5]  }
0x2e: {  	s3 =	simm.s32 @!p0 $0x1082;
	s9 =	sld [smem:$0x3FB6]  }
0x2f: {  	lr =	sadd.s32 s0, s3;
	s0 =	sld [smem:$0x3FAD]  }
0x30: {  	s3 =	sld [smem:$0x3FB0]  }
0x31: {  	[smem:$0x3FB9] =	sst s10  }
0x32: {  	s10 =	sld [smem:$0x3FB7];
	_ =	sdelay $0x3  }
0x33: {  	p0 =	seq.s32 s10, $0x1;
	s10 =	sld [smem:$0x3FB9];
	_ =	sdelay $0x3  }
0x34: {  	[smem:$0x3FB9] =	sst s10  }
0x35: {  	s10 =	sld [smem:$0x3FB8];
	_ =	sdelay $0x3  }
0x36: {  	p1 =	seq.s32 s10, $0x1;
	s10 =	sld [smem:$0x3FB9];
	_ =	sdelay $0x3  }
0x37: {  	[smem:$0x3FB9] =	sst s10  }
0x38: {  	s10 =	sld [smem:$0x3FBA]  }
0x39: {  	_ = 	snop;
	(pc) =	sbr.ind lr, $3  }
0x3a: {  	_ = 	snop  }
0x3b: {  	_ = 	snop  }
0x3c: {  	p2 =	seq.s32 s10, $0x1;
	s10 =	sld [smem:$0x3FB9]  }
0x3d: {  	_ =	shalt  }
0x3e: {  	_ =	shalt  }
0x3f: {  	_ =	shalt  }
0x40: {  	_ =	shalt  }
0x41: {  	_ =	shalt  }
0x42: {  	_ =	shalt  }
0x43: {  	_ =	shalt  }
0x44: {  	_ =	shalt  }
0x45: {  	_ =	shalt  }
0x46: {  	_ =	shalt  }
0x47: {  	_ =	shalt  }
0x48: {  	_ =	shalt  }
0x49: {  	_ =	shalt  }
0x4a: {  	_ =	shalt  }
0x4b: {  	_ =	shalt  }
0x4c: {  	_ =	shalt  }
0x4d: {  	_ =	shalt  }
0x4e: {  	_ =	shalt  }
0x4f: {  	_ =	shalt  }
0x50: {  	_ =	shalt  }
0x51: {  	_ =	shalt  }
0x52: {  	_ =	shalt  }
0x53: {  	_ =	shalt  }
0x54: {  	_ =	shalt  }
0x55: {  	_ =	shalt  }
0x56: {  	_ =	shalt  }
0x57: {  	_ =	shalt  }
0x58: {  	_ =	shalt  }
0x59: {  	_ =	shalt  }
0x5a: {  	_ =	shalt  }
0x5b: {  	_ =	shalt  }
0x5c: {  	_ =	shalt  }
0x5d: {  	_ =	shalt  }
0x5e: {  	_ =	shalt  }
0x5f: {  	_ =	shalt  }
0x60: {  	_ =	shalt  }
0x61: {  	_ =	shalt  }
0x62: {  	_ =	shalt  }
0x63: {  	_ =	shalt  }
0x64: {  	_ =	shalt  }
0x65: {  	_ =	shalt  }
0x66: {  	_ =	shalt  }
0x67: {  	_ =	shalt  }
0x68: {  	_ =	shalt  }
0x69: {  	_ =	shalt  }
0x6a: {  	_ =	shalt  }
0x6b: {  	_ =	shalt  }
0x6c: {  	_ =	shalt  }
0x6d: {  	_ =	shalt  }
0x6e: {  	_ =	shalt  }
0x6f: {  	_ =	shalt  }
0x70: {  	_ =	shalt  }
0x71: {  	_ =	shalt  }
0x72: {  	_ =	shalt  }
0x73: {  	_ =	shalt  }
0x74: {  	_ =	shalt  }
0x75: {  	_ =	shalt  }
0x76: {  	_ =	shalt  }
0x77: {  	_ =	shalt  }
0x78: {  	_ =	shalt  }
0x79: {  	_ =	shalt  }
0x7a: {  	_ =	shalt  }
0x7b: {  	_ =	shalt  }
0x7c: {  	_ =	shalt  }
0x7d: {  	_ =	shalt  }
0x7e: {  	_ =	shalt  }
0x7f: {  	_ =	shalt  }
0x80: {  	_ =	shalt  }
0x81: {  	_ =	shalt  }
0x82: {  	_ =	shalt  }
0x83: {  	_ =	shalt  }
0x84: {  	_ =	shalt  }
0x85: {  	_ =	shalt  }
0x86: {  	_ =	shalt  }
0x87: {  	_ =	shalt  }
.Lfunc_end0:
.L_simem_size_0:
called_computation_lowered:
.L_overlay_start_0:
0x88: {  	s2 =	sld [smem:$0x3FD9]  }
0x89: {  	s3 =	sld [smem:$0x3FFE];
	_ =	sdelay $0x1  }
0x8a: {  	s1 =	srdreg.scid  }
0x8b: {  	s0 =	sand.u32 $0x1, s1  }
0x8c: {  	s17 =	sshll.u32 s0, $0xA;
	s2 =	sadd.s32 s3, s2  }
0x8d: {  	s2 =	sadd.s32 s2, s17  }
0x8e: {  	[smem:$0x3FC5] =	sst s2  }
0x8f: {  	_ = 	snop  }
0x90: {  	s2 =	sld [smem:$0x3FC9]  }
0x91: {  	s18 =	sld [smem:$0x3FD0];
	(tm) =	ssettm $0x1  }
0x92: {  	s4 =	sld [smem:$0x3FFB];
	_ =	sdelay $0x3  }
0x93: {  	_ =	strace s4  }
0x94: {  	s4 =	sld [smem:$0x3FFC];
	_ =	sdelay $0x3  }
0x95: {  	_ =	strace s4  }
0x96: {  	s4 =	sld [smem:$0x3FFD];
	_ =	sdelay $0x3  }
0x97: {  	_ =	strace s4  }
0x98: {  	_ =	strace $0x8FFFFFFF  }
0x99: {  	s19 =	sld [smem:$0x3FDB];
	_ =	sdelay $0x1  }
0x9a: {  	s5 =	simm.s32 $_scs_section_size  }
0x9b: {  	s6 =	simm.s32 $_size__tile_overlayer_lowered;
	s7 =	simm.s32 $_tile_overlayer_lowered  }
0x9c: {  	s22 =	simm.s32 $0x1BFF;
	s21 =	sshll.u32 s7, $0x1;
	s4 =	sadd.s32 s5, s19  }
0x9d: {  	s8 =	simm.s32 $0x0;
	s20 =	sshll.u32 s6, $0x1;
	s6 =	sadd.s32 s21, s4  }
0x9e: {  	[timem:s8], [sflag:s22] =	dma.local [hbm:s6], s20  }
0x9f: {  	_ =	swait.ge [sflag:s22], s20  }
0xa0: {  	s5 =	ssub.s32 $0x0, s20;
	[sflag:s22] =	ssyncset.done $0x0  }
0xa1: {  	[sflag:s22] =	ssyncadd.s32 s5;
	_ =	sdelay $0x1  }
0xa2: {  	s23 =	simm.s32 $0x1B8B  }
0xa3: {  	_ =	swait.ge [sflag:s23], $0x1  }
0xa4: {  	[sflag:s23] =	ssyncset.done $0x0  }
0xa5: {  	s25 =	simm.s32 $0x1B8E;
	s24 =	sld [smem:$0x3FFE];
	[sflag:s23] =	ssyncadd.s32 $0xFFFFFFFF  }
0xa6: {  	s26 =	simm.s32 $execute0_lowered;
	[smem:$0x3FD2] =	sst s25  }
0xa7: {  	s6 =	sshll.u32 s26, $0x1;
	_ =	strace $0x80000046;
	[dreg:$0x1] =	wrdreg $0xFFFFFFFF  }
0xa8: {  	s28 =	simm.s32 $_size_execute0_lowered;
	s4 =	sadd.s32 s4, s6;
	[dreg:$0x0] =	wrdreg $0x0  }
0xa9: {  	s6 =	sshll.u32 s28, $0x1;
	[dreg:$0x2] =	wrdreg s4  }
0xaa: {  	[dreg:$0x3] =	wrdreg s6  }
0xab: {  	[dreg:$0x4] =	wrdreg $0xC0  }
0xac: {  	_ =	task [dreg:s8], $0x5FFFF  }
0xad: {  	[dreg:$0x1] =	wrdreg $0xFFFFFFFF  }
0xae: {  	[dreg:$0x0] =	wrdreg $0x60  }
0xaf: {  	[dreg:$0x2] =	wrdreg s2  }
0xb0: {  	[dreg:$0x3] =	wrdreg s24  }
0xb1: {  	[dreg:$0x4] =	wrdreg s18  }
0xb2: {  	[dreg:$0x5] =	wrdreg $0x9  }
0xb3: {  	_ =	task.clear_ibuf [dreg:s8], $0x6FFFF;
	_ =	strace $0x90000046  }
0xb4: {  	s29 =	simm.s32 $0x9;
	_ =	strace $0x80000048  }
0xb5: {  	_ =	swait.ge [sflag:s29], $0x1  }
0xb6: {  	[sflag:s29] =	ssyncadd.s32 $0xFFFFFFFF  }
0xb7: {  	_ =	strace $0x90000048  }
0xb8: {  	_ =	sfence  }
0xb9: {  	s30 =	sld [smem:$0x0];
	_ =	sdelay $0x2  }
0xba: {  	s31 =	sshll.u32 s1, $0xD;
	s1 =	sshrl.u32 s1, $0x2  }
0xbb: {  	s3 =	sand.u32 $0x4000, s31;
	s1 =	sadd.s32 s1, s30  }
0xbc: {  	s0 =	sor.u32 s3, s0;
	s1 =	sshll.u32 s1, $0x11  }
0xbd: {  	s0 =	sor.u32 s1, s0  }
0xbe: {  	s0 =	sadd.s32 $0x8F2B, s0  }
0xbf: {  	[sflag:s0] =	ssyncadd.remote.s32 $0x1  }
0xc0: {  	_ =	sfence.sel $0xFFFF  }
0xc1: {  	[dreg:$0x0] =	wrdreg $0xFFFFFFFF;
	(pc) =	sbr.abs _section_cstart, $3  }
0xc2: {  	[dreg:$0x1] =	wrdreg $0xFFFFFFFF  }
0xc3: {  	_ =	task.clear_ibuf [dreg:s8], $0x2FFFF;
	_ =	strace $0x9FFFFFFF  }
0xc4: {  	(tm) =	ssettm $0x7FFFFFFF  }
0xc5: {  	_ =	shalt  }
tec
execute0_lowered:
.L_overlay_start_1:
0x0: {  	(tag) =	ssettag $0x1  }
0x1: {  	s4 =	rddreg [dreg:$0x0]  }
0x2: {  	s3 =	rddreg [dreg:$0x1]  }
0x3: {  	s6 =	rddreg [dreg:$0x2]  }
0x4: {  	s0 =	rddreg [dreg:$0x3];
	s1 =	simm.s32 $0x0  }
0x5: {  	s2 =	srdreg.scid;
	s11 =	simm.s32 $0x80;
	s12 =	simm.s32 $0x400  }
0x6: {  	s13 =	simm.s32 $0x2400;
	s14 =	simm.s32 $0x100;
	s15 =	simm.s32 $0x4400  }
0x7: {  	s16 =	simm.s32 $0x180;
	s17 =	simm.s32 $0x6400;
	s18 =	simm.s32 $0x8400  }
0x8: {  	s19 =	simm.s32 $0x1;
	s20 =	simm.s32 $0x200;
	s21 =	simm.s32 $0x280  }
0x9: {  	s22 =	simm.s32 $0x300;
	s23 =	simm.s32 $0x380;
	s24 =	simm.s32 $0x0  }
0xa: {  	[smem:$0x7FF] =	sst s1;
	s5 =	sand.u32 $0x1, s2;
	s2 =	stileid.u32  }
0xb: {  	_ =	strace $0x80000047;
	s7 =	sshll.u32 s5, $0xD;
	s8 =	ssub.s32 $0x2, s5  }
0xc: {  	s9 =	sshll.u32 s2, $0x1;
	s7 =	sadd.s32 s7, s3;
	s10 =	sshrl.u32 s8, $0x1  }
0xd: {  	s3 =	sadd.s32 $0xF42A00, s3;
	s5 =	sor.u32 s5, s9;
	s29 =	ssub.s32 s8, s10  }
0xe: {  	s30 =	sshll.u32 s5, $0x7;
	s31 =	sshll.u32 s5, $0xD;
	s5 =	sadd.s32 $0x600, s7  }
0xf: {  	s7 =	sadd.s32 $0x1600, s7;
	s10 =	simm.s32 $0x2;
	s6 =	sadd.s32 s6, s31  }
0x10: {  	s4 =	sadd.s32 s4, s30;
	s9 =	smax.u32 s29, $0x1;
	s8 =	sadd.s32 $0x1000, s6  }
.LBB2_1:
0x11: {  	[tilespmem:s1], [sflag:$0x2] =	stream.linear.gather [hbm4b:s4+s1], $0x400, $0x38;
	[tilespmem:$0x10400] =	vst v63  }
0x12: {  	_ =	swait.ge [sflag:s10], $0x400  }
0x13: {  	[sflag:s10] =	ssyncset.done $0x0  }
0x14: {  	[sflag:s10] =	ssyncadd.s32 $0xFFFFFC00  }
0x15: {  	[tilespmem:s12], [sflag:$0x1] =	stream.indirect.gather [hbm4b:s3+s11], $0x40, s1, s11, $0xb8;
	[tilespmem:$0x10400] =	vst v63  }
0x16: {  	_ = 	snop  }
0x17: {  	[tilespmem:s13], [sflag:$0x1] =	stream.indirect.gather [hbm4b:s3+s11], $0x40, s11, s11, $0xb8;
	[tilespmem:$0x10400] =	vst v63  }
0x18: {  	_ = 	snop  }
0x19: {  	[tilespmem:s15], [sflag:$0x1] =	stream.indirect.gather [hbm4b:s3+s11], $0x40, s14, s11, $0xb8;
	[tilespmem:$0x10400] =	vst v63  }
0x1a: {  	_ = 	snop  }
0x1b: {  	[tilespmem:s17], [sflag:$0x1] =	stream.indirect.gather [hbm4b:s3+s11], $0x40, s16, s11, $0xb8;
	[tilespmem:$0x10400] =	vst v63  }
0x1c: {  	_ = 	snop  }
0x1d: {  	[tilespmem:s18], [sflag:$0x2] =	stream.linear.gather [hbm4b:s5+s1], $0x8000, $0x38;
	[tilespmem:$0x10400] =	vst v63  }
0x1e: {  	_ =	swait.ge [sflag:s10], $0x8000  }
0x1f: {  	[sflag:s10] =	ssyncset.done $0x0  }
0x20: {  	[sflag:s10] =	ssyncadd.s32 $0xFFFF8000  }
0x21: {  	_ =	swait.ge [sflag:s19], $0x2000  }
0x22: {  	[sflag:s19] =	ssyncset.done $0x0  }
0x23: {  	[sflag:s19] =	ssyncadd.s32 $0xFFFFE000  }
0x24: {  	_ =	swait.ge [sflag:s19], $0x2000  }
0x25: {  	[sflag:s19] =	ssyncset.done $0x0  }
0x26: {  	[sflag:s19] =	ssyncadd.s32 $0xFFFFE000  }
0x27: {  	_ =	swait.ge [sflag:s19], $0x2000  }
0x28: {  	[sflag:s19] =	ssyncset.done $0x0  }
0x29: {  	[sflag:s19] =	ssyncadd.s32 $0xFFFFE000  }
0x2a: {  	_ =	swait.ge [sflag:s19], $0x2000  }
0x2b: {  	[sflag:s19] =	ssyncset.done $0x0  }
0x2c: {  	s25 =	simm.s32 $0x0;
	[sflag:s19] =	ssyncadd.s32 $0xFFFFE000  }
0x2d: {  	v1 =	vld [tilespmem:s25+$0x8430]  }
0x2e: {  	v2 =	vld [tilespmem:s25+$0x8400]  }
0x2f: {  	v3 =	vld [tilespmem:s25+$0x8410]  }
0x30: {  	v0 =	vld [tilespmem:s25+$0x8420];
	_ =	sdelay $0x1  }
0x31: {  	[tilespmem:s25+$0x430] =	vst.add.f32.msk $0xffff, v1  }
0x32: {  	[tilespmem:s25+$0x400] =	vst.add.f32.msk $0xffff, v2  }
0x33: {  	s26 =	simm.s32 $0x40;
	s28 =	simm.s32 $0x200;
	[tilespmem:s25+$0x410] =	vst.add.f32.msk $0xffff, v3  }
.LBB2_2:
0x34: {  	p0 =	sne.s32 s28, $0x1FF00;
	v1 =	vld [tilespmem:s26+$0x8430];
	v2 =	vmov v0  }
0x35: {  	v3 =	vld [tilespmem:s26+$0x8400]  }
0x36: {  	v4 =	vld [tilespmem:s26+$0x8410]  }
.Ltmp0:
0x37: {  	v0 =	vld [tilespmem:s26+$0x8420];
	(pc) =	sbr.rel @p0 .LBB2_2-.Ltmp0, $4  }
0x38: {  	[tilespmem:s25+$0x420] =	vst.add.f32.msk $0xffff, v2;
	s25 =	smov.u32 s26  }
0x39: {  	[tilespmem:s25+$0x430] =	vst.add.f32.msk $0xffff, v1  }
0x3a: {  	[tilespmem:s25+$0x400] =	vst.add.f32.msk $0xffff, v3  }
0x3b: {  	s26 =	sshra.s32 s28, $0x2;
	s28 =	sadd.s32 $0x100, s28;
	[tilespmem:s25+$0x410] =	vst.add.f32.msk $0xffff, v4  }
0x3c: {  	v1 =	vld [tilespmem:s26+$0x8430]  }
0x3d: {  	v2 =	vld [tilespmem:s26+$0x8400]  }
0x3e: {  	v3 =	vld [tilespmem:s26+$0x8410]  }
0x3f: {  	v4 =	vld [tilespmem:s26+$0x8420]  }
0x40: {  	[tilespmem:s25+$0x420] =	vst.add.f32.msk $0xffff, v0  }
0x41: {  	[tilespmem:s26+$0x430] =	vst.add.f32.msk $0xffff, v1  }
0x42: {  	[tilespmem:s26+$0x400] =	vst.add.f32.msk $0xffff, v2  }
0x43: {  	[tilespmem:s26+$0x410] =	vst.add.f32.msk $0xffff, v3  }
0x44: {  	s31 =	simm.s32 $0x0;
	[tilespmem:s26+$0x420] =	vst.add.f32.msk $0xffff, v4  }
0x45: {  	[hbm4b:s6+s31] =	stream.linear.scatter [tilespmem:s12], [sflag:$0x2], $0x8000, $0x38;
	[tilespmem:$0x10400] =	vst v63  }
0x46: {  	_ =	swait.ge [sflag:s10], $0x8000  }
0x47: {  	[sflag:s10] =	ssyncset.done $0x0  }
0x48: {  	[sflag:s10] =	ssyncadd.s32 $0xFFFF8000  }
0x49: {  	[tilespmem:s12], [sflag:$0x1] =	stream.indirect.gather [hbm4b:s3+s11], $0x40, s20, s11, $0xb8;
	[tilespmem:$0x10400] =	vst v63  }
0x4a: {  	_ = 	snop  }
0x4b: {  	[tilespmem:s13], [sflag:$0x1] =	stream.indirect.gather [hbm4b:s3+s11], $0x40, s21, s11, $0xb8;
	[tilespmem:$0x10400] =	vst v63  }
0x4c: {  	_ = 	snop  }
0x4d: {  	[tilespmem:s15], [sflag:$0x1] =	stream.indirect.gather [hbm4b:s3+s11], $0x40, s22, s11, $0xb8;
	[tilespmem:$0x10400] =	vst v63  }
0x4e: {  	_ = 	snop  }
0x4f: {  	[tilespmem:s17], [sflag:$0x1] =	stream.indirect.gather [hbm4b:s3+s11], $0x40, s23, s11, $0xb8;
	[tilespmem:$0x10400] =	vst v63  }
0x50: {  	_ = 	snop  }
0x51: {  	[tilespmem:s18], [sflag:$0x2] =	stream.linear.gather [hbm4b:s7+s31], $0x8000, $0x38;
	[tilespmem:$0x10400] =	vst v63  }
0x52: {  	_ =	swait.ge [sflag:s10], $0x8000  }
0x53: {  	[sflag:s10] =	ssyncset.done $0x0  }
0x54: {  	[sflag:s10] =	ssyncadd.s32 $0xFFFF8000  }
0x55: {  	_ =	swait.ge [sflag:s19], $0x2000  }
0x56: {  	[sflag:s19] =	ssyncset.done $0x0  }
0x57: {  	[sflag:s19] =	ssyncadd.s32 $0xFFFFE000  }
0x58: {  	_ =	swait.ge [sflag:s19], $0x2000  }
0x59: {  	[sflag:s19] =	ssyncset.done $0x0  }
0x5a: {  	[sflag:s19] =	ssyncadd.s32 $0xFFFFE000  }
0x5b: {  	_ =	swait.ge [sflag:s19], $0x2000  }
0x5c: {  	[sflag:s19] =	ssyncset.done $0x0  }
0x5d: {  	[sflag:s19] =	ssyncadd.s32 $0xFFFFE000  }
0x5e: {  	_ =	swait.ge [sflag:s19], $0x2000  }
0x5f: {  	[sflag:s19] =	ssyncset.done $0x0  }
0x60: {  	s25 =	simm.s32 $0x0;
	[sflag:s19] =	ssyncadd.s32 $0xFFFFE000  }
0x61: {  	v1 =	vld [tilespmem:s25+$0x8430]  }
0x62: {  	v2 =	vld [tilespmem:s25+$0x8400]  }
0x63: {  	v3 =	vld [tilespmem:s25+$0x8410]  }
0x64: {  	v0 =	vld [tilespmem:s25+$0x8420];
	_ =	sdelay $0x1  }
0x65: {  	[tilespmem:s25+$0x430] =	vst.add.f32.msk $0xffff, v1  }
0x66: {  	[tilespmem:s25+$0x400] =	vst.add.f32.msk $0xffff, v2  }
0x67: {  	s28 =	simm.s32 $0x200;
	s26 =	simm.s32 $0x40;
	[tilespmem:s25+$0x410] =	vst.add.f32.msk $0xffff, v3  }
.LBB2_4:
0x68: {  	p0 =	sne.s32 s28, $0x1FF00;
	v1 =	vld [tilespmem:s26+$0x8430];
	v2 =	vmov v0  }
0x69: {  	v3 =	vld [tilespmem:s26+$0x8400]  }
0x6a: {  	v4 =	vld [tilespmem:s26+$0x8410]  }
.Ltmp1:
0x6b: {  	v0 =	vld [tilespmem:s26+$0x8420];
	(pc) =	sbr.rel @p0 .LBB2_4-.Ltmp1, $4  }
0x6c: {  	[tilespmem:s25+$0x420] =	vst.add.f32.msk $0xffff, v2;
	s25 =	smov.u32 s26  }
0x6d: {  	[tilespmem:s25+$0x430] =	vst.add.f32.msk $0xffff, v1  }
0x6e: {  	[tilespmem:s25+$0x400] =	vst.add.f32.msk $0xffff, v3  }
0x6f: {  	s26 =	sshra.s32 s28, $0x2;
	s28 =	sadd.s32 $0x100, s28;
	[tilespmem:s25+$0x410] =	vst.add.f32.msk $0xffff, v4  }
0x70: {  	v1 =	vld [tilespmem:s26+$0x8430]  }
0x71: {  	v2 =	vld [tilespmem:s26+$0x8400]  }
0x72: {  	v3 =	vld [tilespmem:s26+$0x8410]  }
0x73: {  	v4 =	vld [tilespmem:s26+$0x8420]  }
0x74: {  	[tilespmem:s25+$0x420] =	vst.add.f32.msk $0xffff, v0  }
0x75: {  	[tilespmem:s26+$0x430] =	vst.add.f32.msk $0xffff, v1  }
0x76: {  	s24 =	sadd.s32 $0x1, s24;
	[tilespmem:s26+$0x400] =	vst.add.f32.msk $0xffff, v2  }
0x77: {  	p0 =	sne.s32 s24, s9;
	[tilespmem:s26+$0x410] =	vst.add.f32.msk $0xffff, v3  }
.Ltmp2:
0x78: {  	[tilespmem:s26+$0x420] =	vst.add.f32.msk $0xffff, v4;
	(pc) =	sbr.rel @p0 .LBB2_1-.Ltmp2, $4  }
0x79: {  	[hbm4b:s8+s1] =	stream.linear.scatter [tilespmem:s12], [sflag:$0x2], $0x8000, $0x38;
	[tilespmem:$0x10400] =	vst v63  }
0x7a: {  	_ =	swait.ge [sflag:s10], $0x8000  }
0x7b: {  	[sflag:s10] =	ssyncset.done $0x0  }
0x7c: {  	[sflag:s10] =	ssyncadd.s32 $0xFFFF8000  }
0x7d: {  	_ =	sfence.sel $0x180000  }
0x7e: {  	[bflag:$0x0] =	sbarrier.arrive $0xFFFF  }
0x7f: {  	p0 =	sne.s32 s2, $0x0;
	_ =	strace $0x90000047  }
0x80: {  	s0 =	sadd.s32 @!p0 $0x100000, s0;
	[bflag:$0x2] =	sbarrier.arrive $0xFFFF  }
0x81: {  	[sflag:s0] =	ssyncadd.tile.s32 @!p0 $0x1;
	_ =	shalt  }
.Lfunc_end2:
_tile_overlayer_lowered:
.L_overlay_start_2:
0x82: {  	(tag) =	ssettag $0x2  }
0x83: {  	s0 =	rddreg [dreg:$0x0];
	s2 =	stileid.u32  }
0x84: {  	s1 =	rddreg [dreg:$0x1];
	p0 =	sne.s32 s2, $0x0  }
0x85: {  	s3 =	rddreg [dreg:$0x2];
	[bflag:$0x3] =	sbarrier.arrive $0xFFFF;
	s2 =	simm.s32 @!p0 $0x1C02  }
0x86: {  	[timem:s3], [sflag:s2] =	dma.local @!p0 [hbm:s0], s1  }
0x87: {  	s0 =	simm.s32 @!p0 $0x2  }
0x88: {  	_ =	swait.ge @!p0 [sflag:s0], s1  }
0x89: {  	s1 =	ssub.s32 @!p0 $0x0, s1;
	[sflag:s0] =	ssyncset.done @!p0 $0x0  }
0x8a: {  	[sflag:s0] =	ssyncadd.s32 @!p0 s1  }
0x8b: {  	[bflag:$0x3] =	sbarrier.arrive $0xFFFF  }
0x8c: {  	_ =	shalt  }

</sc_bundles>
